<compile_context>
chip_gen: v7x
topology: tpu7x:2x2x1
jax: 0.10.2.dev20260603
libtpu: 0.0.44.dev20260713+nightly
codegen_flags: <defaults>
</compile_context>

<pallas_src>
import functools

import jax
import jax.numpy as jnp
from jax import lax
from jax.experimental import pallas as pl
from jax.experimental.pallas import tpu as pltpu
from jax.experimental.pallas import tpu_sc as plsc
from jax._src.pallas import mpmd

_ROWS = 80
_RING = 2
_CHUNK = 4096


@functools.cache
def _mpmd_probe(B, L, D):
    vmesh = plsc.VectorSubcoreMesh(core_axis_name="c", subcore_axis_name="s")
    smesh = plsc.ScalarSubcoreMesh(axis_name="c", num_cores=2)
    NC, NS = vmesh.num_cores, vmesh.num_subcores
    NW = NC * NS
    rows_total = B * L
    rpw = rows_total // NW
    N = rpw // _ROWS
    rpc = rows_total // 2
    NSC = rpc // _CHUNK

    def scs_fn(x_hbm, o_hbm, spm, wb0, wb1, s_scs, sw0, sw1):
        del o_hbm, wb0, wb1, sw0, sw1
        cid = lax.axis_index("c")
        base = cid * rpc

        for b in range(_RING):
            pltpu.async_copy(
                x_hbm.at[pl.ds(base + b * _CHUNK, _CHUNK)],
                spm.at[pl.ds(b * _CHUNK, _CHUNK)], s_scs)

        @pl.loop(1, NSC // _RING)
        def _(j):
            for b in range(_RING):
                c = _RING * j + b
                pltpu.make_async_copy(
                    x_hbm.at[pl.ds(base, _CHUNK)],
                    spm.at[pl.ds(b * _CHUNK, _CHUNK)], s_scs).wait()
                pltpu.async_copy(
                    x_hbm.at[pl.ds(base + c * _CHUNK, _CHUNK)],
                    spm.at[pl.ds(b * _CHUNK, _CHUNK)], s_scs)

        for b in range(_RING):
            pltpu.make_async_copy(
                x_hbm.at[pl.ds(base, _CHUNK)],
                spm.at[pl.ds(b * _CHUNK, _CHUNK)], s_scs).wait()

    def tec_fn(x_hbm, o_hbm, spm, wb0, wb1, s_scs, sw0, sw1):
        del x_hbm, spm, s_scs
        wid = lax.axis_index("s") * NC + lax.axis_index("c")
        base = wid * rpw
        wbufs, wsems = (wb0, wb1), (sw0, sw1)

        for b in range(_RING):
            pltpu.async_copy(
                wbufs[b], o_hbm.at[pl.ds(base + b * _ROWS, _ROWS)], wsems[b])

        @pl.loop(1, N // _RING)
        def _(j):
            for b in range(_RING):
                c = _RING * j + b
                pltpu.make_async_copy(
                    wbufs[b],
                    o_hbm.at[pl.ds(base + (c - _RING) * _ROWS, _ROWS)],
                    wsems[b]).wait()
                pltpu.async_copy(
                    wbufs[b], o_hbm.at[pl.ds(base + c * _ROWS, _ROWS)],
                    wsems[b])

        for b in range(_RING):
            pltpu.make_async_copy(
                wbufs[b],
                o_hbm.at[pl.ds(base + (N - _RING + b) * _ROWS, _ROWS)],
                wsems[b]).wait()

    return mpmd.mpmd_map(
        [(smesh, scs_fn), (vmesh, tec_fn)],
        out_types=[jax.ShapeDtypeStruct((rows_total, D), jnp.float32)],
        scratch_types=[
            pltpu.VMEM_SHARED((_RING * _CHUNK, D), jnp.float32),
            pltpu.VMEM((_ROWS, D), jnp.float32) @ vmesh,
            pltpu.VMEM((_ROWS, D), jnp.float32) @ vmesh,
            pltpu.SemaphoreType.DMA @ smesh,
            pltpu.SemaphoreType.DMA @ vmesh,
            pltpu.SemaphoreType.DMA @ vmesh,
        ],
    )


def kernel(x, pos_embed):
    B, L, D = x.shape
    (out,) = _mpmd_probe(B, L, D)(x.reshape(B * L, D))
    return out.reshape(B, L, D)

# --- scband reference (transcript-rebuilt; emitter-appended) ---
"""Pipeline reference for scband-learnable-pos-embedding-72670846648565 (READ-ONLY COPY).

The authoritative reference and input builder live on the scoring server;
editing this copy changes nothing except your own understanding.
"""

import jax, jax.numpy as jnp
import numpy as np

D_MODEL = 128
MAX_LEN = 200

def setup_inputs(seed: int = 0) -> dict:
    key = jax.random.key(seed)
    k1, k2 = jax.random.split(key)
    x = jax.random.normal(k1, (4096, 200, D_MODEL), dtype=jnp.float32)
    # nn.init.uniform_ default: U[0, 1)
    pos_embed = jax.random.uniform(k2, (MAX_LEN, D_MODEL), dtype=jnp.float32)
    return {"x": x, "pos_embed": pos_embed}

def reference(x, pos_embed):
    i = jnp.arange(x.shape[1])
    pe = jnp.take(pos_embed, i, axis=0)  # [L, d_model]
    return x + pe[None, :, :]

if __name__ == "__main__":
    import jax
    _d = setup_inputs()
    print(jax.jit(kernel)(*tuple(_d.values())))

</pallas_src>

<mosaic_0001>
#map = affine_map<(d0) -> (0, 0)>
#map1 = affine_map<(d0, d1) -> (0, 0)>
module attributes {stable_mosaic.version = 14 : i64} {
  func.func @scs_fn(%arg0: i32, %arg1: memref<819200x128xf32, #tpu.memory_space<hbm>>, %arg2: memref<819200x128xf32, #tpu.memory_space<hbm>>, %arg3: memref<8192x128xf32, #tpu.memory_space<vmem_shared>>, %arg4: memref<80x128xf32, #tpu.memory_space<vmem, sc_vector_subcore>>, %arg5: memref<80x128xf32, #tpu.memory_space<vmem, sc_vector_subcore>>, %arg6: memref<!tpu.dma_semaphore, #tpu.memory_space<semaphore_mem>>, %arg7: memref<!tpu.dma_semaphore, #tpu.memory_space<semaphore_mem, sc_vector_subcore>>, %arg8: memref<!tpu.dma_semaphore, #tpu.memory_space<semaphore_mem, sc_vector_subcore>>) attributes {dimension_semantics = [#tpu.dimension_semantics<core_parallel>], iteration_bounds = array<i64: 2>, scalar_prefetch = 0 : i64, scratch_operands = 6 : i64, tpu.core_type = #tpu.core_type<sc_scalar_subcore>, window_params = [{transform_indices = #map}, {transform_indices = #map}]} {
    %mul3A = arith.constant 409600 : i32
    %mul3A_0 = arith.muli %arg0, %mul3A : i32
    %add3A = arith.constant 0 : i32
    %add3A_1 = arith.addi %mul3A_0, %add3A : i32
    %dma_start3A = arith.constant 0 : i32
    %dma_start3A_2 = arith.constant 0 : i32
    %dma_start3A_3 = tpu.memref_slice %arg3[%dma_start3A, %dma_start3A_2] : memref<8192x128xf32, #tpu.memory_space<vmem_shared>> -> memref<4096x128xf32, #tpu.memory_space<vmem_shared>>
    %dma_start3A_4 = arith.constant 0 : i32
    %dma_start3A_5 = tpu.memref_slice %arg1[%add3A_1, %dma_start3A_4] : memref<819200x128xf32, #tpu.memory_space<hbm>> -> memref<4096x128xf32, #tpu.memory_space<hbm>>
    tpu.enqueue_dma source(%dma_start3A_5 : memref<4096x128xf32, #tpu.memory_space<hbm>>) target(%dma_start3A_3 : memref<4096x128xf32, #tpu.memory_space<vmem_shared>>) target_semaphore(%arg6 : memref<!tpu.dma_semaphore, #tpu.memory_space<semaphore_mem>>)
    %add3A_6 = arith.constant 4096 : i32
    %add3A_7 = arith.addi %mul3A_0, %add3A_6 : i32
    %dma_start3A_8 = arith.constant 4096 : i32
    %dma_start3A_9 = arith.constant 0 : i32
    %dma_start3A_10 = tpu.memref_slice %arg3[%dma_start3A_8, %dma_start3A_9] : memref<8192x128xf32, #tpu.memory_space<vmem_shared>> -> memref<4096x128xf32, #tpu.memory_space<vmem_shared>>
    %dma_start3A_11 = arith.constant 0 : i32
    %dma_start3A_12 = tpu.memref_slice %arg1[%add3A_7, %dma_start3A_11] : memref<819200x128xf32, #tpu.memory_space<hbm>> -> memref<4096x128xf32, #tpu.memory_space<hbm>>
    tpu.enqueue_dma source(%dma_start3A_12 : memref<4096x128xf32, #tpu.memory_space<hbm>>) target(%dma_start3A_10 : memref<4096x128xf32, #tpu.memory_space<vmem_shared>>) target_semaphore(%arg6 : memref<!tpu.dma_semaphore, #tpu.memory_space<semaphore_mem>>)
    %scan3A = arith.constant 0 : i32
    %scan3A_13 = arith.constant 49 : i32
    %scan3A_14 = arith.addi %scan3A, %scan3A_13 : i32
    %scan3A_15 = arith.constant 1 : i32
    scf.for %scan3A_26 = %scan3A to %scan3A_14 step %scan3A_15  : i32 {
      %mul3A_27 = arith.constant 1 : i32
      %mul3A_28 = arith.muli %scan3A_26, %mul3A_27 : i32
      %add3A_29 = arith.constant 1 : i32
      %add3A_30 = arith.addi %add3A_29, %mul3A_28 : i32
      %mul3A_31 = arith.constant 2 : i32
      %mul3A_32 = arith.muli %mul3A_31, %add3A_30 : i32
      %add3A_33 = arith.constant 0 : i32
      %add3A_34 = arith.addi %mul3A_32, %add3A_33 : i32
      %dma_wait3A_35 = arith.constant 0 : i32
      %dma_wait3A_36 = arith.constant 0 : i32
      %dma_wait3A_37 = tpu.memref_slice %arg3[%dma_wait3A_35, %dma_wait3A_36] : memref<8192x128xf32, #tpu.memory_space<vmem_shared>> -> memref<4096x128xf32, #tpu.memory_space<vmem_shared>>
      %dma_wait3A_38 = arith.constant 0 : i32
      %dma_wait3A_39 = tpu.memref_slice %arg1[%mul3A_0, %dma_wait3A_38] : memref<819200x128xf32, #tpu.memory_space<hbm>> -> memref<4096x128xf32, #tpu.memory_space<hbm>>
      tpu.wait_dma2 semaphore(%arg6 : memref<!tpu.dma_semaphore, #tpu.memory_space<semaphore_mem>>) src(%dma_wait3A_39 : memref<4096x128xf32, #tpu.memory_space<hbm>>) dst(%dma_wait3A_37 : memref<4096x128xf32, #tpu.memory_space<vmem_shared>>)
      %mul3A_40 = arith.constant 4096 : i32
      %mul3A_41 = arith.muli %add3A_34, %mul3A_40 : i32
      %add3A_42 = arith.addi %mul3A_0, %mul3A_41 : i32
      %dma_start3A_43 = arith.constant 0 : i32
      %dma_start3A_44 = arith.constant 0 : i32
      %dma_start3A_45 = tpu.memref_slice %arg3[%dma_start3A_43, %dma_start3A_44] : memref<8192x128xf32, #tpu.memory_space<vmem_shared>> -> memref<4096x128xf32, #tpu.memory_space<vmem_shared>>
      %dma_start3A_46 = arith.constant 0 : i32
      %dma_start3A_47 = tpu.memref_slice %arg1[%add3A_42, %dma_start3A_46] : memref<819200x128xf32, #tpu.memory_space<hbm>> -> memref<4096x128xf32, #tpu.memory_space<hbm>>
      tpu.enqueue_dma source(%dma_start3A_47 : memref<4096x128xf32, #tpu.memory_space<hbm>>) target(%dma_start3A_45 : memref<4096x128xf32, #tpu.memory_space<vmem_shared>>) target_semaphore(%arg6 : memref<!tpu.dma_semaphore, #tpu.memory_space<semaphore_mem>>)
      %mul3A_48 = arith.constant 2 : i32
      %mul3A_49 = arith.muli %mul3A_48, %add3A_30 : i32
      %add3A_50 = arith.constant 1 : i32
      %add3A_51 = arith.addi %mul3A_49, %add3A_50 : i32
      %dma_wait3A_52 = arith.constant 4096 : i32
      %dma_wait3A_53 = arith.constant 0 : i32
      %dma_wait3A_54 = tpu.memref_slice %arg3[%dma_wait3A_52, %dma_wait3A_53] : memref<8192x128xf32, #tpu.memory_space<vmem_shared>> -> memref<4096x128xf32, #tpu.memory_space<vmem_shared>>
      %dma_wait3A_55 = arith.constant 0 : i32
      %dma_wait3A_56 = tpu.memref_slice %arg1[%mul3A_0, %dma_wait3A_55] : memref<819200x128xf32, #tpu.memory_space<hbm>> -> memref<4096x128xf32, #tpu.memory_space<hbm>>
      tpu.wait_dma2 semaphore(%arg6 : memref<!tpu.dma_semaphore, #tpu.memory_space<semaphore_mem>>) src(%dma_wait3A_56 : memref<4096x128xf32, #tpu.memory_space<hbm>>) dst(%dma_wait3A_54 : memref<4096x128xf32, #tpu.memory_space<vmem_shared>>)
      %mul3A_57 = arith.constant 4096 : i32
      %mul3A_58 = arith.muli %add3A_51, %mul3A_57 : i32
      %add3A_59 = arith.addi %mul3A_0, %mul3A_58 : i32
      %dma_start3A_60 = arith.constant 4096 : i32
      %dma_start3A_61 = arith.constant 0 : i32
      %dma_start3A_62 = tpu.memref_slice %arg3[%dma_start3A_60, %dma_start3A_61] : memref<8192x128xf32, #tpu.memory_space<vmem_shared>> -> memref<4096x128xf32, #tpu.memory_space<vmem_shared>>
      %dma_start3A_63 = arith.constant 0 : i32
      %dma_start3A_64 = tpu.memref_slice %arg1[%add3A_59, %dma_start3A_63] : memref<819200x128xf32, #tpu.memory_space<hbm>> -> memref<4096x128xf32, #tpu.memory_space<hbm>>
      tpu.enqueue_dma source(%dma_start3A_64 : memref<4096x128xf32, #tpu.memory_space<hbm>>) target(%dma_start3A_62 : memref<4096x128xf32, #tpu.memory_space<vmem_shared>>) target_semaphore(%arg6 : memref<!tpu.dma_semaphore, #tpu.memory_space<semaphore_mem>>)
    }
    %scan3A_16 = arith.constant 49 : i32
    %dma_wait3A = arith.constant 0 : i32
    %dma_wait3A_17 = arith.constant 0 : i32
    %dma_wait3A_18 = tpu.memref_slice %arg3[%dma_wait3A, %dma_wait3A_17] : memref<8192x128xf32, #tpu.memory_space<vmem_shared>> -> memref<4096x128xf32, #tpu.memory_space<vmem_shared>>
    %dma_wait3A_19 = arith.constant 0 : i32
    %dma_wait3A_20 = tpu.memref_slice %arg1[%mul3A_0, %dma_wait3A_19] : memref<819200x128xf32, #tpu.memory_space<hbm>> -> memref<4096x128xf32, #tpu.memory_space<hbm>>
    tpu.wait_dma2 semaphore(%arg6 : memref<!tpu.dma_semaphore, #tpu.memory_space<semaphore_mem>>) src(%dma_wait3A_20 : memref<4096x128xf32, #tpu.memory_space<hbm>>) dst(%dma_wait3A_18 : memref<4096x128xf32, #tpu.memory_space<vmem_shared>>)
    %dma_wait3A_21 = arith.constant 4096 : i32
    %dma_wait3A_22 = arith.constant 0 : i32
    %dma_wait3A_23 = tpu.memref_slice %arg3[%dma_wait3A_21, %dma_wait3A_22] : memref<8192x128xf32, #tpu.memory_space<vmem_shared>> -> memref<4096x128xf32, #tpu.memory_space<vmem_shared>>
    %dma_wait3A_24 = arith.constant 0 : i32
    %dma_wait3A_25 = tpu.memref_slice %arg1[%mul3A_0, %dma_wait3A_24] : memref<819200x128xf32, #tpu.memory_space<hbm>> -> memref<4096x128xf32, #tpu.memory_space<hbm>>
    tpu.wait_dma2 semaphore(%arg6 : memref<!tpu.dma_semaphore, #tpu.memory_space<semaphore_mem>>) src(%dma_wait3A_25 : memref<4096x128xf32, #tpu.memory_space<hbm>>) dst(%dma_wait3A_23 : memref<4096x128xf32, #tpu.memory_space<vmem_shared>>)
    return
  }
  func.func @tec_fn(%arg0: i32, %arg1: i32, %arg2: memref<819200x128xf32, #tpu.memory_space<hbm>>, %arg3: memref<819200x128xf32, #tpu.memory_space<hbm>>, %arg4: memref<8192x128xf32, #tpu.memory_space<vmem_shared>>, %arg5: memref<80x128xf32, #tpu.memory_space<vmem>>, %arg6: memref<80x128xf32, #tpu.memory_space<vmem>>, %arg7: memref<!tpu.dma_semaphore, #tpu.memory_space<semaphore_mem, sc_scalar_subcore>>, %arg8: memref<!tpu.dma_semaphore, #tpu.memory_space<semaphore_mem>>, %arg9: memref<!tpu.dma_semaphore, #tpu.memory_space<semaphore_mem>>) attributes {dimension_semantics = [#tpu.dimension_semantics<core_parallel>, #tpu.dimension_semantics<subcore_parallel>], iteration_bounds = array<i64: 2, 16>, scalar_prefetch = 0 : i64, scratch_operands = 6 : i64, tpu.core_type = #tpu.core_type<sc_vector_subcore>, window_params = [{transform_indices = #map1}, {transform_indices = #map1}]} {
    %mul3A = arith.constant 2 : i32
    %mul3A_0 = arith.muli %arg1, %mul3A : i32
    %add3A = arith.addi %mul3A_0, %arg0 : i32
    %mul3A_1 = arith.constant 25600 : i32
    %mul3A_2 = arith.muli %add3A, %mul3A_1 : i32
    %add3A_3 = arith.constant 0 : i32
    %add3A_4 = arith.addi %mul3A_2, %add3A_3 : i32
    %dma_start3A = arith.constant 0 : i32
    %dma_start3A_5 = tpu.memref_slice %arg3[%add3A_4, %dma_start3A] : memref<819200x128xf32, #tpu.memory_space<hbm>> -> memref<80x128xf32, #tpu.memory_space<hbm>>
    %dma_start3A_6 = arith.constant 0 : i32
    %dma_start3A_7 = tpu.memref_slice %arg3[%add3A_4, %dma_start3A_6] : memref<819200x128xf32, #tpu.memory_space<hbm>> -> memref<80x128xf32, #tpu.memory_space<hbm>>
    tpu.enqueue_dma source(%arg5 : memref<80x128xf32, #tpu.memory_space<vmem>>) target(%dma_start3A_7 : memref<80x128xf32, #tpu.memory_space<hbm>>) target_semaphore(%arg8 : memref<!tpu.dma_semaphore, #tpu.memory_space<semaphore_mem>>)
    %add3A_8 = arith.constant 80 : i32
    %add3A_9 = arith.addi %mul3A_2, %add3A_8 : i32
    %dma_start3A_10 = arith.constant 0 : i32
    %dma_start3A_11 = tpu.memref_slice %arg3[%add3A_9, %dma_start3A_10] : memref<819200x128xf32, #tpu.memory_space<hbm>> -> memref<80x128xf32, #tpu.memory_space<hbm>>
    %dma_start3A_12 = arith.constant 0 : i32
    %dma_start3A_13 = tpu.memref_slice %arg3[%add3A_9, %dma_start3A_12] : memref<819200x128xf32, #tpu.memory_space<hbm>> -> memref<80x128xf32, #tpu.memory_space<hbm>>
    tpu.enqueue_dma source(%arg6 : memref<80x128xf32, #tpu.memory_space<vmem>>) target(%dma_start3A_13 : memref<80x128xf32, #tpu.memory_space<hbm>>) target_semaphore(%arg9 : memref<!tpu.dma_semaphore, #tpu.memory_space<semaphore_mem>>)
    %scan3A = arith.constant 0 : i32
    %scan3A_14 = arith.constant 159 : i32
    %scan3A_15 = arith.addi %scan3A, %scan3A_14 : i32
    %scan3A_16 = arith.constant 1 : i32
    scf.for %scan3A_29 = %scan3A to %scan3A_15 step %scan3A_16  : i32 {
      %mul3A_30 = arith.constant 1 : i32
      %mul3A_31 = arith.muli %scan3A_29, %mul3A_30 : i32
      %add3A_32 = arith.constant 1 : i32
      %add3A_33 = arith.addi %add3A_32, %mul3A_31 : i32
      %mul3A_34 = arith.constant 2 : i32
      %mul3A_35 = arith.muli %mul3A_34, %add3A_33 : i32
      %add3A_36 = arith.constant 0 : i32
      %add3A_37 = arith.addi %mul3A_35, %add3A_36 : i32
      %sub3A = arith.constant 2 : i32
      %sub3A_38 = arith.subi %add3A_37, %sub3A : i32
      %mul3A_39 = arith.constant 80 : i32
      %mul3A_40 = arith.muli %sub3A_38, %mul3A_39 : i32
      %add3A_41 = arith.addi %mul3A_2, %mul3A_40 : i32
      %dma_wait3A_42 = arith.constant 0 : i32
      %dma_wait3A_43 = tpu.memref_slice %arg3[%add3A_41, %dma_wait3A_42] : memref<819200x128xf32, #tpu.memory_space<hbm>> -> memref<80x128xf32, #tpu.memory_space<hbm>>
      %dma_wait3A_44 = arith.constant 0 : i32
      %dma_wait3A_45 = tpu.memref_slice %arg3[%add3A_41, %dma_wait3A_44] : memref<819200x128xf32, #tpu.memory_space<hbm>> -> memref<80x128xf32, #tpu.memory_space<hbm>>
      tpu.wait_dma2 semaphore(%arg8 : memref<!tpu.dma_semaphore, #tpu.memory_space<semaphore_mem>>) src(%arg5 : memref<80x128xf32, #tpu.memory_space<vmem>>) dst(%dma_wait3A_45 : memref<80x128xf32, #tpu.memory_space<hbm>>)
      %mul3A_46 = arith.constant 80 : i32
      %mul3A_47 = arith.muli %add3A_37, %mul3A_46 : i32
      %add3A_48 = arith.addi %mul3A_2, %mul3A_47 : i32
      %dma_start3A_49 = arith.constant 0 : i32
      %dma_start3A_50 = tpu.memref_slice %arg3[%add3A_48, %dma_start3A_49] : memref<819200x128xf32, #tpu.memory_space<hbm>> -> memref<80x128xf32, #tpu.memory_space<hbm>>
      %dma_start3A_51 = arith.constant 0 : i32
      %dma_start3A_52 = tpu.memref_slice %arg3[%add3A_48, %dma_start3A_51] : memref<819200x128xf32, #tpu.memory_space<hbm>> -> memref<80x128xf32, #tpu.memory_space<hbm>>
      tpu.enqueue_dma source(%arg5 : memref<80x128xf32, #tpu.memory_space<vmem>>) target(%dma_start3A_52 : memref<80x128xf32, #tpu.memory_space<hbm>>) target_semaphore(%arg8 : memref<!tpu.dma_semaphore, #tpu.memory_space<semaphore_mem>>)
      %mul3A_53 = arith.constant 2 : i32
      %mul3A_54 = arith.muli %mul3A_53, %add3A_33 : i32
      %add3A_55 = arith.constant 1 : i32
      %add3A_56 = arith.addi %mul3A_54, %add3A_55 : i32
      %sub3A_57 = arith.constant 2 : i32
      %sub3A_58 = arith.subi %add3A_56, %sub3A_57 : i32
      %mul3A_59 = arith.constant 80 : i32
      %mul3A_60 = arith.muli %sub3A_58, %mul3A_59 : i32
      %add3A_61 = arith.addi %mul3A_2, %mul3A_60 : i32
      %dma_wait3A_62 = arith.constant 0 : i32
      %dma_wait3A_63 = tpu.memref_slice %arg3[%add3A_61, %dma_wait3A_62] : memref<819200x128xf32, #tpu.memory_space<hbm>> -> memref<80x128xf32, #tpu.memory_space<hbm>>
      %dma_wait3A_64 = arith.constant 0 : i32
      %dma_wait3A_65 = tpu.memref_slice %arg3[%add3A_61, %dma_wait3A_64] : memref<819200x128xf32, #tpu.memory_space<hbm>> -> memref<80x128xf32, #tpu.memory_space<hbm>>
      tpu.wait_dma2 semaphore(%arg9 : memref<!tpu.dma_semaphore, #tpu.memory_space<semaphore_mem>>) src(%arg6 : memref<80x128xf32, #tpu.memory_space<vmem>>) dst(%dma_wait3A_65 : memref<80x128xf32, #tpu.memory_space<hbm>>)
      %mul3A_66 = arith.constant 80 : i32
      %mul3A_67 = arith.muli %add3A_56, %mul3A_66 : i32
      %add3A_68 = arith.addi %mul3A_2, %mul3A_67 : i32
      %dma_start3A_69 = arith.constant 0 : i32
      %dma_start3A_70 = tpu.memref_slice %arg3[%add3A_68, %dma_start3A_69] : memref<819200x128xf32, #tpu.memory_space<hbm>> -> memref<80x128xf32, #tpu.memory_space<hbm>>
      %dma_start3A_71 = arith.constant 0 : i32
      %dma_start3A_72 = tpu.memref_slice %arg3[%add3A_68, %dma_start3A_71] : memref<819200x128xf32, #tpu.memory_space<hbm>> -> memref<80x128xf32, #tpu.memory_space<hbm>>
      tpu.enqueue_dma source(%arg6 : memref<80x128xf32, #tpu.memory_space<vmem>>) target(%dma_start3A_72 : memref<80x128xf32, #tpu.memory_space<hbm>>) target_semaphore(%arg9 : memref<!tpu.dma_semaphore, #tpu.memory_space<semaphore_mem>>)
    }
    %scan3A_17 = arith.constant 159 : i32
    %add3A_18 = arith.constant 25440 : i32
    %add3A_19 = arith.addi %mul3A_2, %add3A_18 : i32
    %dma_wait3A = arith.constant 0 : i32
    %dma_wait3A_20 = tpu.memref_slice %arg3[%add3A_19, %dma_wait3A] : memref<819200x128xf32, #tpu.memory_space<hbm>> -> memref<80x128xf32, #tpu.memory_space<hbm>>
    %dma_wait3A_21 = arith.constant 0 : i32
    %dma_wait3A_22 = tpu.memref_slice %arg3[%add3A_19, %dma_wait3A_21] : memref<819200x128xf32, #tpu.memory_space<hbm>> -> memref<80x128xf32, #tpu.memory_space<hbm>>
    tpu.wait_dma2 semaphore(%arg8 : memref<!tpu.dma_semaphore, #tpu.memory_space<semaphore_mem>>) src(%arg5 : memref<80x128xf32, #tpu.memory_space<vmem>>) dst(%dma_wait3A_22 : memref<80x128xf32, #tpu.memory_space<hbm>>)
    %add3A_23 = arith.constant 25520 : i32
    %add3A_24 = arith.addi %mul3A_2, %add3A_23 : i32
    %dma_wait3A_25 = arith.constant 0 : i32
    %dma_wait3A_26 = tpu.memref_slice %arg3[%add3A_24, %dma_wait3A_25] : memref<819200x128xf32, #tpu.memory_space<hbm>> -> memref<80x128xf32, #tpu.memory_space<hbm>>
    %dma_wait3A_27 = arith.constant 0 : i32
    %dma_wait3A_28 = tpu.memref_slice %arg3[%add3A_24, %dma_wait3A_27] : memref<819200x128xf32, #tpu.memory_space<hbm>> -> memref<80x128xf32, #tpu.memory_space<hbm>>
    tpu.wait_dma2 semaphore(%arg9 : memref<!tpu.dma_semaphore, #tpu.memory_space<semaphore_mem>>) src(%arg6 : memref<80x128xf32, #tpu.memory_space<vmem>>) dst(%dma_wait3A_28 : memref<80x128xf32, #tpu.memory_space<hbm>>)
    return
  }
}

</mosaic_0001>

<sc_bundles>
// kernel: kernel.3.cloned.1.call-start
scs
__scs_entry_jumppad:
0x0: {  	(pc) =	sbr.rel $0x88, $3  }
0x1: {  	(tag) =	ssettag $0x0;
	lr =	simm.s32 $0x1  }
0x2: {  	[smem:$0x3FA0] =	sst lr;
	_ =	strace $0xD0000000  }
0x3: {  	_ = 	snop  }
0x4: {  	_ = 	snop  }
0x5: {  	_ = 	snop  }
0x6: {  	_ = 	snop  }
0x7: {  	_ = 	snop  }
__scs_overlays_trampoline_lowered:
0x8: {  	[smem:$0x3FAF] =	sst s0  }
0x9: {  	[smem:$0x3FB0] =	sst s1  }
0xa: {  	[smem:$0x3FB1] =	sst s2  }
0xb: {  	[smem:$0x3FB2] =	sst s3  }
0xc: {  	[smem:$0x3FB3] =	sst s4  }
0xd: {  	[smem:$0x3FB4] =	sst s5  }
0xe: {  	[smem:$0x3FB5] =	sst s6  }
0xf: {  	[smem:$0x3FB6] =	sst s7  }
0x10: {  	[smem:$0x3FB7] =	sst s8  }
0x11: {  	[smem:$0x3FB8] =	sst s9;
	s0 =	simm.s32 @!p0 $0x0  }
0x12: {  	s1 =	sld [smem:$0x3F9E];
	s0 =	simm.s32 @p0 $0x1  }
0x13: {  	[smem:$0x3FB9] =	sst s0;
	s0 =	simm.s32 @!p1 $0x0  }
0x14: {  	s2 =	sld [smem:$0x3F9D];
	s0 =	simm.s32 @p1 $0x1  }
0x15: {  	[smem:$0x3FBA] =	sst s0;
	s0 =	simm.s32 @!p2 $0x0  }
0x16: {  	s3 =	sld [smem:$0x3FDB];
	s0 =	simm.s32 @p2 $0x1  }
0x17: {  	s4 =	simm.s32 $0x1BF5;
	[smem:$0x3FBC] =	sst s0  }
0x18: {  	s0 =	sld [smem:$0x3F9F];
	_ =	swait.ge [sflag:s4], $0x0  }
0x19: {  	s7 =	sld [smem:$0x3FA0]  }
0x1a: {  	s8 =	sadd.s32 $0xFFFFE003, lr  }
0x1b: {  	s9 =	sadd.s32 $0xFFFFFEF7, lr;
	s5 =	simm.s32 $0xFFFFFFFF;
	p2 =	slt.u32 s8, $0xFFFFF086  }
0x1c: {  	p1 =	slt.u32 s9, $0xF7A;
	s5 =	simm.s32 @!p2 $0x0  }
0x1d: {  	s5 =	simm.s32 @p1 $0x1;
	p0 =	seq.s32 s7, s2  }
0x1e: {  	s7 =	smul.u32 @!p0 $0xF7A, s2;
	p2 =	seq.s32 @!p0 s5, $0x0  }
0x1f: {  	s9 =	smul.u32 $0xF7A, s1;
	s8 =	simm.s32 @!p0 $0x1BF5;
	p2 =	por !p2, p0  }
0x20: {  	[sflag:s8] =	ssyncset.s32 @!p0 $0xFFFFF086;
	s6 =	sadd.s32 @!p0 s3, s7;
	s7 =	simm.s32 @!p0 $0x108  }
0x21: {  	s3 =	sadd.s32 s3, s9;
	s6 =	sadd.s32 @!p0 $0x88, s6;
	s7 =	simm.s32 @p2 $0x1082  }
0x22: {  	[simem:s7], [sflag:s8] =	dma.local @!p0 [hbm:s6], $0xF7A  }
0x23: {  	s9 =	sor.u32 $0xD0000000, s2;
	s6 =	simm.s32 $0x108;
	_ =	swait.ge @!p0 [sflag:s8], $0x0  }
0x24: {  	s3 =	sadd.s32 $0x88, s3;
	s6 =	simm.s32 @!p1 $0x1082;
	[sflag:s4] =	ssyncset.s32 $0xFFFFF086  }
0x25: {  	[simem:s6], [sflag:s4] =	dma.local [hbm:s3], $0xF7A  }
0x26: {  	[smem:$0x3FA0] =	sst s1;
	(tag) =	ssettag s2;
	_ =	strace s9  }
0x27: {  	s1 =	sld [smem:$0x3FB0]  }
0x28: {  	s2 =	sld [smem:$0x3FB1]  }
0x29: {  	s4 =	sld [smem:$0x3FB3]  }
0x2a: {  	p0 =	seq.s32 s5, $0x0;
	s5 =	sld [smem:$0x3FB4]  }
0x2b: {  	s6 =	sld [smem:$0x3FB5]  }
0x2c: {  	s7 =	sld [smem:$0x3FB6]  }
0x2d: {  	s3 =	simm.s32 $0x108;
	s8 =	sld [smem:$0x3FB7]  }
0x2e: {  	s3 =	simm.s32 @!p0 $0x1082;
	s9 =	sld [smem:$0x3FB8]  }
0x2f: {  	lr =	sadd.s32 s0, s3;
	s0 =	sld [smem:$0x3FAF]  }
0x30: {  	s3 =	sld [smem:$0x3FB2]  }
0x31: {  	[smem:$0x3FBB] =	sst s10  }
0x32: {  	s10 =	sld [smem:$0x3FB9];
	_ =	sdelay $0x3  }
0x33: {  	p0 =	seq.s32 s10, $0x1;
	s10 =	sld [smem:$0x3FBB];
	_ =	sdelay $0x3  }
0x34: {  	[smem:$0x3FBB] =	sst s10  }
0x35: {  	s10 =	sld [smem:$0x3FBA];
	_ =	sdelay $0x3  }
0x36: {  	p1 =	seq.s32 s10, $0x1;
	s10 =	sld [smem:$0x3FBB];
	_ =	sdelay $0x3  }
0x37: {  	[smem:$0x3FBB] =	sst s10  }
0x38: {  	s10 =	sld [smem:$0x3FBC]  }
0x39: {  	_ = 	snop;
	(pc) =	sbr.ind lr, $3  }
0x3a: {  	_ = 	snop  }
0x3b: {  	_ = 	snop  }
0x3c: {  	p2 =	seq.s32 s10, $0x1;
	s10 =	sld [smem:$0x3FBB]  }
0x3d: {  	_ =	shalt  }
0x3e: {  	_ =	shalt  }
0x3f: {  	_ =	shalt  }
0x40: {  	_ =	shalt  }
0x41: {  	_ =	shalt  }
0x42: {  	_ =	shalt  }
0x43: {  	_ =	shalt  }
0x44: {  	_ =	shalt  }
0x45: {  	_ =	shalt  }
0x46: {  	_ =	shalt  }
0x47: {  	_ =	shalt  }
0x48: {  	_ =	shalt  }
0x49: {  	_ =	shalt  }
0x4a: {  	_ =	shalt  }
0x4b: {  	_ =	shalt  }
0x4c: {  	_ =	shalt  }
0x4d: {  	_ =	shalt  }
0x4e: {  	_ =	shalt  }
0x4f: {  	_ =	shalt  }
0x50: {  	_ =	shalt  }
0x51: {  	_ =	shalt  }
0x52: {  	_ =	shalt  }
0x53: {  	_ =	shalt  }
0x54: {  	_ =	shalt  }
0x55: {  	_ =	shalt  }
0x56: {  	_ =	shalt  }
0x57: {  	_ =	shalt  }
0x58: {  	_ =	shalt  }
0x59: {  	_ =	shalt  }
0x5a: {  	_ =	shalt  }
0x5b: {  	_ =	shalt  }
0x5c: {  	_ =	shalt  }
0x5d: {  	_ =	shalt  }
0x5e: {  	_ =	shalt  }
0x5f: {  	_ =	shalt  }
0x60: {  	_ =	shalt  }
0x61: {  	_ =	shalt  }
0x62: {  	_ =	shalt  }
0x63: {  	_ =	shalt  }
0x64: {  	_ =	shalt  }
0x65: {  	_ =	shalt  }
0x66: {  	_ =	shalt  }
0x67: {  	_ =	shalt  }
0x68: {  	_ =	shalt  }
0x69: {  	_ =	shalt  }
0x6a: {  	_ =	shalt  }
0x6b: {  	_ =	shalt  }
0x6c: {  	_ =	shalt  }
0x6d: {  	_ =	shalt  }
0x6e: {  	_ =	shalt  }
0x6f: {  	_ =	shalt  }
0x70: {  	_ =	shalt  }
0x71: {  	_ =	shalt  }
0x72: {  	_ =	shalt  }
0x73: {  	_ =	shalt  }
0x74: {  	_ =	shalt  }
0x75: {  	_ =	shalt  }
0x76: {  	_ =	shalt  }
0x77: {  	_ =	shalt  }
0x78: {  	_ =	shalt  }
0x79: {  	_ =	shalt  }
0x7a: {  	_ =	shalt  }
0x7b: {  	_ =	shalt  }
0x7c: {  	_ =	shalt  }
0x7d: {  	_ =	shalt  }
0x7e: {  	_ =	shalt  }
0x7f: {  	_ =	shalt  }
0x80: {  	_ =	shalt  }
0x81: {  	_ =	shalt  }
0x82: {  	_ =	shalt  }
0x83: {  	_ =	shalt  }
0x84: {  	_ =	shalt  }
0x85: {  	_ =	shalt  }
0x86: {  	_ =	shalt  }
0x87: {  	_ =	shalt  }
.Lfunc_end0:
.L_simem_size_0:
called_computation_lowered:
.L_overlay_start_0:
0x88: {  	s2 =	sld [smem:$0x3FD9]  }
0x89: {  	s3 =	sld [smem:$0x3FFE];
	_ =	sdelay $0x1  }
0x8a: {  	s1 =	srdreg.scid  }
0x8b: {  	s0 =	sand.u32 $0x1, s1  }
0x8c: {  	s19 =	sshll.u32 s0, $0xA;
	s2 =	sadd.s32 s3, s2  }
0x8d: {  	s2 =	sadd.s32 s2, s19  }
0x8e: {  	[smem:$0x3FC7] =	sst s2  }
0x8f: {  	_ = 	snop  }
0x90: {  	s2 =	simm.s32 $0x0;
	s20 =	sld [smem:$0x3FC9]  }
0x91: {  	[smem:$0xF] =	sst s2  }
0x92: {  	s4 =	sld [smem:$0x3FD0];
	(tm) =	ssettm $0x1  }
0x93: {  	s5 =	sld [smem:$0x3FFB];
	_ =	sdelay $0x3  }
0x94: {  	_ =	strace s5  }
0x95: {  	s5 =	sld [smem:$0x3FFC];
	_ =	sdelay $0x3  }
0x96: {  	_ =	strace s5  }
0x97: {  	s5 =	sld [smem:$0x3FFD];
	_ =	sdelay $0x3  }
0x98: {  	_ =	strace s5  }
0x99: {  	_ =	strace $0x8FFFFFFF  }
0x9a: {  	s21 =	sld [smem:$0x3FDB];
	_ =	sdelay $0x2  }
0x9b: {  	s6 =	simm.s32 $_scs_section_size;
	s7 =	simm.s32 $_tile_overlayer_lowered  }
0x9c: {  	s22 =	simm.s32 $_size__tile_overlayer_lowered;
	s7 =	sshll.u32 s7, $0x1;
	s5 =	sadd.s32 s6, s21  }
0x9d: {  	s8 =	simm.s32 $0x1BFF;
	s6 =	sshll.u32 s22, $0x1;
	s7 =	sadd.s32 s7, s5  }
0x9e: {  	[timem:s2], [sflag:s8] =	dma.local [hbm:s7], s6  }
0x9f: {  	_ =	swait.ge [sflag:s8], s6  }
0xa0: {  	s6 =	ssub.s32 $0x0, s6;
	[sflag:s8] =	ssyncset.done $0x0  }
0xa1: {  	[sflag:s8] =	ssyncadd.s32 s6;
	_ =	sdelay $0x1  }
0xa2: {  	s23 =	simm.s32 $0x1B8B  }
0xa3: {  	_ =	swait.ge [sflag:s23], $0x1  }
0xa4: {  	[sflag:s23] =	ssyncset.done $0x0  }
0xa5: {  	s24 =	simm.s32 $0x1B8E;
	[sflag:s23] =	ssyncadd.s32 $0xFFFFFFFF  }
0xa6: {  	s25 =	simm.s32 $execute0_lowered;
	[smem:$0x3FD2] =	sst s24  }
0xa7: {  	s6 =	sshll.u32 s25, $0x1;
	_ =	strace $0x80000046;
	[dreg:$0x1] =	wrdreg $0xFFFFFFFF  }
0xa8: {  	s26 =	simm.s32 $_size_execute0_lowered;
	s5 =	sadd.s32 s5, s6;
	[dreg:$0x0] =	wrdreg $0x0  }
0xa9: {  	s6 =	sshll.u32 s26, $0x1;
	[dreg:$0x2] =	wrdreg s5  }
0xaa: {  	[dreg:$0x3] =	wrdreg s6  }
0xab: {  	[dreg:$0x4] =	wrdreg $0xC0  }
0xac: {  	_ =	task [dreg:s2], $0x5FFFF  }
0xad: {  	[dreg:$0x1] =	wrdreg $0xFFFFFFFF  }
0xae: {  	[dreg:$0x0] =	wrdreg $0x60  }
0xaf: {  	s28 =	smul.u32 $0x640000, s0;
	[dreg:$0x2] =	wrdreg s4  }
0xb0: {  	[dreg:$0x3] =	wrdreg $0x9  }
0xb1: {  	s3 =	simm.s32 $0xA;
	s4 =	sadd.s32 s28, s20;
	_ =	task.clear_ibuf [dreg:s2], $0x4FFFF  }
0xb2: {  	[spmem:s2], [sflag:s3] =	dma.local [hbm:s4], $0x10000  }
0xb3: {  	s5 =	simm.s32 $0x10000;
	s29 =	sadd.s32 $0x10000, s4  }
0xb4: {  	[spmem:s5], [sflag:s3] =	dma.local [hbm:s29], $0x10000  }
0xb5: {  	_ =	swait.ge [sflag:s3], $0x10000  }
0xb6: {  	[sflag:s3] =	ssyncset.done $0x0  }
0xb7: {  	s30 =	sadd.s32 $0xFF9E0000, s4;
	[sflag:s3] =	ssyncadd.s32 $0xFFFF0000  }
0xb8: {  	s31 =	sadd.s32 $0x640000, s30  }
0xb9: {  	[spmem:s2], [sflag:s3] =	dma.local [hbm:s31], $0x10000  }
0xba: {  	_ =	swait.ge [sflag:s3], $0x10000  }
0xbb: {  	[sflag:s3] =	ssyncset.done $0x0  }
0xbc: {  	s6 =	simm.s32 $0xFFA00000;
	s7 =	sadd.s32 $0x650000, s30;
	[sflag:s3] =	ssyncadd.s32 $0xFFFF0000  }
.LBB1_1:
0xbd: {  	[spmem:s5], [sflag:s3] =	dma.local [hbm:s7], $0x10000  }
0xbe: {  	s7 =	smov.u32 s6  }
0xbf: {  	p0 =	sne.s32 s6, $0xFFFE0000;
	s6 =	sadd.s32 $0x20000, s6;
	_ =	swait.ge [sflag:s3], $0x10000  }
0xc0: {  	s7 =	sadd.s32 s7, s4;
	[sflag:s3] =	ssyncset.done $0x0  }
0xc1: {  	s8 =	sadd.s32 $0x640000, s7;
	[sflag:s3] =	ssyncadd.s32 $0xFFFF0000  }
0xc2: {  	[spmem:s2], [sflag:s3] =	dma.local [hbm:s8], $0x10000  }
.Ltmp0:
0xc3: {  	(pc) =	sbr.rel @p0 .LBB1_1-.Ltmp0, $3  }
0xc4: {  	_ =	swait.ge [sflag:s3], $0x10000  }
0xc5: {  	[sflag:s3] =	ssyncset.done $0x0  }
0xc6: {  	s7 =	sadd.s32 $0x650000, s7;
	[sflag:s3] =	ssyncadd.s32 $0xFFFF0000  }
0xc7: {  	[spmem:s5], [sflag:s3] =	dma.local [hbm:s7], $0x10000  }
0xc8: {  	s2 =	simm.s32 $0xA  }
0xc9: {  	_ =	swait.ge [sflag:s2], $0x10000  }
0xca: {  	[sflag:s2] =	ssyncset.done $0x0  }
0xcb: {  	[sflag:s2] =	ssyncadd.s32 $0xFFFF0000;
	_ =	sdelay $0x2  }
0xcc: {  	_ =	swait.ge [sflag:s2], $0x10000  }
0xcd: {  	[sflag:s2] =	ssyncset.done $0x0  }
0xce: {  	[sflag:s2] =	ssyncadd.s32 $0xFFFF0000  }
0xcf: {  	_ =	strace $0x90000046  }
0xd0: {  	s26 =	simm.s32 $0x9;
	_ =	strace $0x80000048  }
0xd1: {  	_ =	swait.ge [sflag:s26], $0x1  }
0xd2: {  	[sflag:s26] =	ssyncadd.s32 $0xFFFFFFFF  }
0xd3: {  	_ =	strace $0x90000048  }
0xd4: {  	_ =	sfence  }
0xd5: {  	s28 =	sld [smem:$0x0];
	_ =	sdelay $0x2  }
0xd6: {  	s29 =	sshll.u32 s1, $0xD;
	s30 =	sshrl.u32 s1, $0x2  }
0xd7: {  	s3 =	sand.u32 $0x4000, s29;
	s1 =	sadd.s32 s30, s28  }
0xd8: {  	s0 =	sor.u32 s3, s0;
	s1 =	sshll.u32 s1, $0x11  }
0xd9: {  	s0 =	sor.u32 s1, s0  }
0xda: {  	s0 =	sadd.s32 $0x8F2B, s0  }
0xdb: {  	[sflag:s0] =	ssyncadd.remote.s32 $0x1  }
0xdc: {  	_ =	sfence.sel $0xFFFF  }
0xdd: {  	[dreg:$0x0] =	wrdreg $0xFFFFFFFF;
	(pc) =	sbr.abs _section_cstart, $3  }
0xde: {  	s31 =	simm.s32 $0x0;
	[dreg:$0x1] =	wrdreg $0xFFFFFFFF  }
0xdf: {  	_ =	task.clear_ibuf [dreg:s31], $0x2FFFF;
	_ =	strace $0x9FFFFFFF  }
0xe0: {  	(tm) =	ssettm $0x7FFFFFFF  }
0xe1: {  	_ =	shalt  }
tec
execute0_lowered:
.L_overlay_start_1:
0x0: {  	(tag) =	ssettag $0x1  }
0x1: {  	s1 =	srdreg.scid;
	s0 =	stileid.u32  }
0x2: {  	s6 =	rddreg [dreg:$0x0];
	s2 =	simm.s32 $0x0;
	s9 =	simm.s32 $0x1  }
0x3: {  	s10 =	simm.s32 $0x2;
	s4 =	sand.u32 $0x1, s1;
	s1 =	rddreg [dreg:$0x1]  }
0x4: {  	s11 =	simm.s32 $0x0;
	s3 =	sshll.u32 s0, $0x1;
	[smem:$0x7FF] =	sst s2  }
0x5: {  	s8 =	smul.u32 $0xC8000, s0;
	s3 =	sor.u32 s4, s3;
	s5 =	ssub.s32 $0x2, s4  }
0x6: {  	_ =	strace $0x80000047;
	s3 =	smul.u32 $0x64000, s3;
	s7 =	sshrl.u32 s5, $0x1  }
0x7: {  	s31 =	smul.u32 $0x64000, s4;
	s5 =	ssub.s32 s5, s7;
	s7 =	simm.s32 $0x10000  }
0x8: {  	s3 =	sadd.s32 s6, s3;
	s5 =	smax.u32 s5, $0x1;
	s6 =	sadd.s32 s8, s6  }
0x9: {  	s8 =	simm.s32 $0x12800;
	s4 =	sadd.s32 $0x500, s3;
	s6 =	sadd.s32 s31, s6  }
.LBB2_1:
0xa: {  	[hbm4b:s3+s2] =	stream.linear.scatter [tilespmem:s7], [sflag:$0x1], $0x2800, $0x38;
	[tilespmem:$0x15000] =	vst v63  }
0xb: {  	_ = 	snop  }
0xc: {  	[hbm4b:s4+s2] =	stream.linear.scatter [tilespmem:s8], [sflag:$0x2], $0x2800, $0x38;
	[tilespmem:$0x15000] =	vst v63  }
0xd: {  	_ =	swait.ge [sflag:s9], $0x2800  }
0xe: {  	s13 =	sadd.s32 $0xFFF9CA00, s6;
	[sflag:s9] =	ssyncset.done $0x0  }
0xf: {  	s12 =	sadd.s32 $0x64000, s13;
	[sflag:s9] =	ssyncadd.s32 $0xFFFFD800  }
0x10: {  	[hbm4b:s12+s2] =	stream.linear.scatter [tilespmem:s7], [sflag:$0x1], $0x2800, $0x38;
	[tilespmem:$0x15000] =	vst v63  }
0x11: {  	_ =	swait.ge [sflag:s10], $0x2800  }
0x12: {  	[sflag:s10] =	ssyncset.done $0x0  }
0x13: {  	s13 =	sadd.s32 $0x64500, s13;
	s12 =	simm.s32 $0xFFF9D400;
	[sflag:s10] =	ssyncadd.s32 $0xFFFFD800  }
.LBB2_2:
0x14: {  	[hbm4b:s13+s2] =	stream.linear.scatter [tilespmem:s8], [sflag:$0x2], $0x2800, $0x38;
	[tilespmem:$0x15000] =	vst v63  }
0x15: {  	s13 =	smov.u32 s12  }
0x16: {  	p0 =	sne.s32 s12, $0xFFFFF600;
	s12 =	sadd.s32 $0xA00, s12;
	_ =	swait.ge [sflag:s9], $0x2800  }
0x17: {  	s13 =	sadd.s32 s13, s6;
	[sflag:s9] =	ssyncset.done $0x0  }
.Ltmp1:
0x18: {  	s14 =	sadd.s32 $0x64000, s13;
	[sflag:s9] =	ssyncadd.s32 $0xFFFFD800;
	(pc) =	sbr.rel @p0 .LBB2_2-.Ltmp1, $4  }
0x19: {  	[hbm4b:s14+s2] =	stream.linear.scatter [tilespmem:s7], [sflag:$0x1], $0x2800, $0x38;
	[tilespmem:$0x15000] =	vst v63  }
0x1a: {  	_ =	swait.ge [sflag:s10], $0x2800  }
0x1b: {  	[sflag:s10] =	ssyncset.done $0x0  }
0x1c: {  	s13 =	sadd.s32 $0x64500, s13;
	[sflag:s10] =	ssyncadd.s32 $0xFFFFD800  }
0x1d: {  	[hbm4b:s13+s2] =	stream.linear.scatter [tilespmem:s8], [sflag:$0x2], $0x2800, $0x38;
	[tilespmem:$0x15000] =	vst v63  }
0x1e: {  	s11 =	sadd.s32 $0x1, s11  }
0x1f: {  	_ =	swait.ge [sflag:s9], $0x2800;
	p0 =	sne.s32 s11, s5  }
.Ltmp2:
0x20: {  	[sflag:s9] =	ssyncset.done $0x0;
	(pc) =	sbr.rel @p0 .LBB2_1-.Ltmp2, $4  }
0x21: {  	[sflag:s9] =	ssyncadd.s32 $0xFFFFD800  }
0x22: {  	_ =	swait.ge [sflag:s10], $0x2800  }
0x23: {  	[sflag:s10] =	ssyncset.done $0x0  }
0x24: {  	[sflag:s10] =	ssyncadd.s32 $0xFFFFD800  }
0x25: {  	_ =	sfence.sel $0x180000  }
0x26: {  	[bflag:$0x0] =	sbarrier.arrive $0xFFFF  }
0x27: {  	p0 =	sne.s32 s0, $0x0;
	_ =	strace $0x90000047  }
0x28: {  	s0 =	sadd.s32 @!p0 $0x100000, s1;
	[bflag:$0x2] =	sbarrier.arrive $0xFFFF  }
0x29: {  	[sflag:s0] =	ssyncadd.tile.s32 @!p0 $0x1;
	_ =	shalt  }
.Lfunc_end2:
_tile_overlayer_lowered:
.L_overlay_start_2:
0x2a: {  	(tag) =	ssettag $0x2  }
0x2b: {  	s0 =	rddreg [dreg:$0x0];
	s2 =	stileid.u32  }
0x2c: {  	s1 =	rddreg [dreg:$0x1];
	p0 =	sne.s32 s2, $0x0  }
0x2d: {  	s3 =	rddreg [dreg:$0x2];
	[bflag:$0x3] =	sbarrier.arrive $0xFFFF;
	s2 =	simm.s32 @!p0 $0x1C03  }
0x2e: {  	[timem:s3], [sflag:s2] =	dma.local @!p0 [hbm:s0], s1  }
0x2f: {  	s0 =	simm.s32 @!p0 $0x3  }
0x30: {  	_ =	swait.ge @!p0 [sflag:s0], s1  }
0x31: {  	s1 =	ssub.s32 @!p0 $0x0, s1;
	[sflag:s0] =	ssyncset.done @!p0 $0x0  }
0x32: {  	[sflag:s0] =	ssyncadd.s32 @!p0 s1  }
0x33: {  	[bflag:$0x3] =	sbarrier.arrive $0xFFFF  }
0x34: {  	_ =	shalt  }

</sc_bundles>
